<compile_context>
chip_gen: v7x
topology: tpu7x:2x2x1
jax: 0.10.2.dev20260603
libtpu: 0.0.44.dev20260713+nightly
codegen_flags: <defaults>
</compile_context>

<pallas_src>
import jax
import jax.numpy as jnp
from jax import lax
from jax.experimental import pallas as pl
from jax.experimental.pallas import tpu as pltpu
from jax.experimental.pallas import tpu_sc as plsc

DP = 2
MAX_SAMPLES = 16384
N_DIM = 1024
CHUNK = 2048
NW = 32
CH = 32
NB = 3
RPD = 1
TOTAL_ROWS = DP * MAX_SAMPLES
ROWS_PER_W = TOTAL_ROWS // NW
BPW = ROWS_PER_W // CH


def _copy_body(idx_hbm, acts_hbm, cache_hbm, out_hbm, idx_v, *bufsems):
    wid = lax.axis_index("c") * 16 + lax.axis_index("s")
    base = pl.multiple_of(wid * ROWS_PER_W, CH)
    pltpu.sync_copy(idx_hbm, idx_v.at[pl.ds(0, 1)])
    index = idx_v[...][0]
    bufs = bufsems[:NB]
    rsems = bufsems[NB:2 * NB]
    wsems = bufsems[2 * NB:]

    def start_read(i, buf, rsem):
        r0 = base + i * CH
        off = ((r0 & (MAX_SAMPLES - 1)) - index + MAX_SAMPLES) \
            & (MAX_SAMPLES - 1)
        d = lax.shift_right_logical(r0, 14)
        s_acts = jnp.minimum(d * CHUNK + off, DP * CHUNK - CH)

        @pl.when(off < CHUNK)
        def _():
            pltpu.async_copy(
                acts_hbm.at[pl.ds(pl.multiple_of(s_acts, 8), CH)], buf, rsem)

        @pl.when(off >= CHUNK)
        def _():
            pltpu.async_copy(
                cache_hbm.at[pl.ds(pl.multiple_of(r0, 8), CH)], buf, rsem)

    def wait_read(buf, rsem):
        pltpu.make_async_copy(cache_hbm.at[pl.ds(0, CH)], buf, rsem).wait()

    def wait_write(buf, wsem):
        pltpu.make_async_copy(buf, out_hbm.at[pl.ds(base, CH)], wsem).wait()

    for j in range(RPD):
        start_read(j, bufs[j], rsems[j])

    shared = bufsems[-1]
    sid = lax.axis_index("s")
    HR = 16

    def wait_write16(wsem):
        pltpu.make_async_copy(shared.at[sid],
                              out_hbm.at[pl.ds(base, HR)], wsem).wait()

    def body(i, _):
        for p in range(NB):

            @pl.when((i % NB) == p)
            def _():

                @pl.when(i >= NB)
                def _():
                    wait_write16(wsems[p])

                dst = out_hbm.at[pl.ds(pl.multiple_of(base + i * HR, HR),
                                       HR)]

                @pl.when((i % 2) == 0)
                def _():
                    pltpu.async_copy(bufs[p].at[pl.ds(0, HR)], dst, wsems[p])

                @pl.when((i % 2) == 1)
                def _():
                    pltpu.async_copy(shared.at[sid], dst, wsems[p])

        return 0

    lax.fori_loop(0, ROWS_PER_W // HR, body, 0)
    for p in range(NB):
        wait_write16(wsems[p])


def kernel(activations, cache, n_valid, index):
    dp, max_samples, d = cache.shape
    acts = activations.reshape((dp, -1, d))
    chunk = acts.shape[1]
    new_n_valid = jnp.minimum(jnp.asarray(n_valid) + chunk, max_samples)
    new_index = (jnp.asarray(index) + chunk) % max_samples

    acts_flat = activations.astype(cache.dtype)
    cache_flat = cache.reshape((dp * max_samples, d))
    idx_arr = jnp.asarray(index, dtype=jnp.int32).reshape((1,))

    mesh = plsc.VectorSubcoreMesh(core_axis_name="c", subcore_axis_name="s")
    out_flat = pl.kernel(
        _copy_body,
        mesh=mesh,
        out_type=jax.ShapeDtypeStruct((dp * max_samples, d), cache.dtype),
        scratch_types=(
            [pltpu.VMEM((16,), jnp.int32)]
            + [pltpu.VMEM((CH, N_DIM), jnp.float32)] * NB
            + [pltpu.SemaphoreType.DMA] * (2 * NB)
            + [pltpu.VMEM_SHARED((16, 16, N_DIM), jnp.float32)]
        ),
    )(idx_arr, acts_flat, cache_flat)

    new_cache = out_flat.reshape((dp, max_samples, d))
    return (new_cache, new_n_valid, new_index)

# --- scband reference (transcript-rebuilt; emitter-appended) ---
"""Pipeline reference for scband-activation-buffer-2551210574583 (READ-ONLY COPY).

The authoritative reference and input builder live on the scoring server;
editing this copy changes nothing except your own understanding.
"""

import jax, jax.numpy as jnp
import numpy as np

DP = 2
MAX_SAMPLES = 16384
N_DIM = 1024
CHUNK_TOTAL = 4096

def setup_inputs(seed: int = 0) -> dict:
    key = jax.random.key(seed)
    k1 = jax.random.fold_in(key, 1)
    activations = jax.random.normal(k1, (CHUNK_TOTAL, N_DIM), dtype=jnp.float32)
    cache = jnp.zeros((DP, MAX_SAMPLES, N_DIM), dtype=jnp.float32)
    n_valid = 0
    index = 0
    return {"activations": activations, "cache": cache, "n_valid": n_valid, "index": index}

def reference(activations, cache, n_valid, index):
    # Faithful translation of ActivationBuffer.__call__ (sharding constraints
    # dropped; the eqx.nn.State is represented explicitly as (cache, n_valid, index)).
    dp, max_samples, d = cache.shape
    acts = activations.reshape((dp, -1, d))
    chunk = acts.shape[1]
    offsets = jnp.arange(chunk)
    new_n_valid = jnp.minimum(jnp.asarray(n_valid) + chunk, max_samples)
    indices = (jnp.asarray(index) + offsets) % max_samples
    new_index = (jnp.asarray(index) + chunk) % max_samples
    new_cache = cache.at[:, indices].set(acts.astype(cache.dtype))
    return (new_cache, new_n_valid, new_index)

if __name__ == "__main__":
    import jax
    _d = setup_inputs()
    print(jax.jit(kernel)(*tuple(_d.values())))

</pallas_src>

<mosaic_0001>
#map = affine_map<(d0, d1) -> (0)>
#map1 = affine_map<(d0, d1) -> (0, 0)>
module attributes {stable_mosaic.version = 14 : i64} {
  func.func @_copy_body(%arg0: i32, %arg1: i32, %arg2: memref<1xi32, #tpu.memory_space<hbm>>, %arg3: memref<4096x1024xf32, #tpu.memory_space<hbm>>, %arg4: memref<32768x1024xf32, #tpu.memory_space<hbm>>, %arg5: memref<32768x1024xf32, #tpu.memory_space<hbm>>, %arg6: memref<16xi32, #tpu.memory_space<vmem>>, %arg7: memref<32x1024xf32, #tpu.memory_space<vmem>>, %arg8: memref<32x1024xf32, #tpu.memory_space<vmem>>, %arg9: memref<32x1024xf32, #tpu.memory_space<vmem>>, %arg10: memref<!tpu.dma_semaphore, #tpu.memory_space<semaphore_mem>>, %arg11: memref<!tpu.dma_semaphore, #tpu.memory_space<semaphore_mem>>, %arg12: memref<!tpu.dma_semaphore, #tpu.memory_space<semaphore_mem>>, %arg13: memref<!tpu.dma_semaphore, #tpu.memory_space<semaphore_mem>>, %arg14: memref<!tpu.dma_semaphore, #tpu.memory_space<semaphore_mem>>, %arg15: memref<!tpu.dma_semaphore, #tpu.memory_space<semaphore_mem>>, %arg16: memref<16x16x1024xf32, #tpu.memory_space<vmem_shared>>) attributes {dimension_semantics = [#tpu.dimension_semantics<core_parallel>, #tpu.dimension_semantics<subcore_parallel>], iteration_bounds = array<i64: 2, 16>, scalar_prefetch = 0 : i64, scratch_operands = 11 : i64, tpu.core_type = #tpu.core_type<sc_vector_subcore>, window_params = [{transform_indices = #map}, {transform_indices = #map1}, {transform_indices = #map1}, {transform_indices = #map1}]} {
    %mul3A = arith.constant 16 : i32
    %mul3A_0 = arith.muli %arg0, %mul3A : i32
    %add3A = arith.addi %mul3A_0, %arg1 : i32
    %mul3A_1 = arith.constant 1024 : i32
    %mul3A_2 = arith.muli %add3A, %mul3A_1 : i32
    %multiple_of3A = tpu.assume_multiple %mul3A_2, 32 : i32
    "tpu.region"() ({
      %run_scoped3A = tpu.sem_alloc : memref<!tpu.dma_semaphore, #tpu.memory_space<semaphore_mem>>
      %dma_start3A = arith.constant 0 : i32
      %dma_start3A_46 = tpu.memref_slice %arg6[%dma_start3A] : memref<16xi32, #tpu.memory_space<vmem>> -> memref<1xi32, #tpu.memory_space<vmem>>
      %dma_start3A_47 = arith.constant 0 : i32
      %dma_start3A_48 = tpu.memref_slice %arg6[%dma_start3A_47] : memref<16xi32, #tpu.memory_space<vmem>> -> memref<1xi32, #tpu.memory_space<vmem>>
      tpu.enqueue_dma source(%arg2 : memref<1xi32, #tpu.memory_space<hbm>>) target(%dma_start3A_48 : memref<1xi32, #tpu.memory_space<vmem>>) target_semaphore(%run_scoped3A : memref<!tpu.dma_semaphore, #tpu.memory_space<semaphore_mem>>)
      %dma_wait3A_49 = arith.constant 0 : i32
      %dma_wait3A_50 = tpu.memref_slice %arg6[%dma_wait3A_49] : memref<16xi32, #tpu.memory_space<vmem>> -> memref<1xi32, #tpu.memory_space<vmem>>
      %dma_wait3A_51 = arith.constant 0 : i32
      %dma_wait3A_52 = tpu.memref_slice %arg6[%dma_wait3A_51] : memref<16xi32, #tpu.memory_space<vmem>> -> memref<1xi32, #tpu.memory_space<vmem>>
      tpu.wait_dma2 semaphore(%run_scoped3A : memref<!tpu.dma_semaphore, #tpu.memory_space<semaphore_mem>>) src(%arg2 : memref<1xi32, #tpu.memory_space<hbm>>) dst(%dma_wait3A_52 : memref<1xi32, #tpu.memory_space<vmem>>)
      tpu.yield
    }) : () -> ()
    %get3A = arith.constant 0 : index
    %get3A_3 = tpu.vector_load %arg6[%get3A] {strides = array<i32>} : memref<16xi32, #tpu.memory_space<vmem>>, vector<16xi32>,
    %get3A_4 = vector.shape_cast %get3A_3 : vector<16xi32> to vector<16xi32>
    %slice3A = vector.extract_strided_slice %get3A_4 {offsets = [0], sizes = [1], strides = [1]} : vector<16xi32> to vector<1xi32>
    %squeeze3A = vector.extract %slice3A[0] : i32 from vector<1xi32>
    %add3A_5 = arith.constant 0 : i32
    %add3A_6 = arith.addi %multiple_of3A, %add3A_5 : i32
    %and3A = arith.constant 16383 : i32
    %and3A_7 = arith.andi %add3A_6, %and3A : i32
    %sub3A = arith.subi %and3A_7, %squeeze3A : i32
    %add3A_8 = arith.constant 16384 : i32
    %add3A_9 = arith.addi %sub3A, %add3A_8 : i32
    %and3A_10 = arith.constant 16383 : i32
    %and3A_11 = arith.andi %add3A_9, %and3A_10 : i32
    %shift_right_logical3A = arith.constant 14 : i32
    %shift_right_logical3A_12 = arith.shrui %add3A_6, %shift_right_logical3A : i32
    %mul3A_13 = arith.constant 2048 : i32
    %mul3A_14 = arith.muli %shift_right_logical3A_12, %mul3A_13 : i32
    %add3A_15 = arith.addi %mul3A_14, %and3A_11 : i32
    %min3A = arith.constant 4064 : i32
    %min3A_16 = arith.minsi %add3A_15, %min3A : i32
    %lt3A = arith.constant 2048 : i32
    %lt3A_17 = arith.cmpi slt, %and3A_11, %lt3A : i32
    %convert_element_type3A = arith.extui %lt3A_17 : i1 to i32
    %cond3A = arith.constant 0 : i32
    %cond3A_18 = arith.cmpi ne, %convert_element_type3A, %cond3A : i32
    scf.if %cond3A_18 {
      %multiple_of3A_46 = tpu.assume_multiple %min3A_16, 8 : i32
      %dma_start3A = arith.constant 0 : i32
      %dma_start3A_47 = tpu.memref_slice %arg3[%multiple_of3A_46, %dma_start3A] : memref<4096x1024xf32, #tpu.memory_space<hbm>> -> memref<32x1024xf32, #tpu.memory_space<hbm>>
      %dma_start3A_48 = arith.constant 0 : i32
      %dma_start3A_49 = tpu.memref_slice %arg3[%multiple_of3A_46, %dma_start3A_48] : memref<4096x1024xf32, #tpu.memory_space<hbm>> -> memref<32x1024xf32, #tpu.memory_space<hbm>>
      tpu.enqueue_dma source(%dma_start3A_49 : memref<32x1024xf32, #tpu.memory_space<hbm>>) target(%arg7 : memref<32x1024xf32, #tpu.memory_space<vmem>>) target_semaphore(%arg10 : memref<!tpu.dma_semaphore, #tpu.memory_space<semaphore_mem>>)
    } else {
    }
    %ge3A = arith.constant 2048 : i32
    %ge3A_19 = arith.cmpi sge, %and3A_11, %ge3A : i32
    %convert_element_type3A_20 = arith.extui %ge3A_19 : i1 to i32
    %cond3A_21 = arith.constant 0 : i32
    %cond3A_22 = arith.cmpi ne, %convert_element_type3A_20, %cond3A_21 : i32
    scf.if %cond3A_22 {
      %multiple_of3A_46 = tpu.assume_multiple %add3A_6, 8 : i32
      %dma_start3A = arith.constant 0 : i32
      %dma_start3A_47 = tpu.memref_slice %arg4[%multiple_of3A_46, %dma_start3A] : memref<32768x1024xf32, #tpu.memory_space<hbm>> -> memref<32x1024xf32, #tpu.memory_space<hbm>>
      %dma_start3A_48 = arith.constant 0 : i32
      %dma_start3A_49 = tpu.memref_slice %arg4[%multiple_of3A_46, %dma_start3A_48] : memref<32768x1024xf32, #tpu.memory_space<hbm>> -> memref<32x1024xf32, #tpu.memory_space<hbm>>
      tpu.enqueue_dma source(%dma_start3A_49 : memref<32x1024xf32, #tpu.memory_space<hbm>>) target(%arg7 : memref<32x1024xf32, #tpu.memory_space<vmem>>) target_semaphore(%arg10 : memref<!tpu.dma_semaphore, #tpu.memory_space<semaphore_mem>>)
    } else {
    }
    %scan3A = arith.constant 0 : i32
    %scan3A_23 = arith.constant 0 : i32
    %scan3A_24 = arith.constant 64 : i32
    %scan3A_25 = arith.addi %scan3A_23, %scan3A_24 : i32
    %scan3A_26 = arith.constant 1 : i32
    %scan3A_27 = scf.for %scan3A_46 = %scan3A_23 to %scan3A_25 step %scan3A_26 iter_args(%scan3A_47 = %scan3A) -> (i32)  : i32 {
      %jit3A = arith.constant 3 : i32
      %eq3A = arith.constant 0 : i32
      %eq3A_48 = arith.cmpi eq, %jit3A, %eq3A : i32
      %jit3A_49 = arith.constant 1 : i32
      %select_n3A = arith.select %eq3A_48, %jit3A_49, %jit3A : i32
      %rem3A = arith.remsi %scan3A_46, %select_n3A : i32
      %ne3A = arith.constant 0 : i32
      %ne3A_50 = arith.cmpi ne, %rem3A, %ne3A : i32
      %lt3A_51 = arith.constant 0 : i32
      %lt3A_52 = arith.cmpi slt, %rem3A, %lt3A_51 : i32
      %lt3A_53 = arith.constant 0 : i32
      %lt3A_54 = arith.cmpi slt, %select_n3A, %lt3A_53 : i32
      %ne3A_55 = arith.xori %lt3A_52, %lt3A_54 : i1
      %and3A_56 = arith.andi %ne3A_55, %ne3A_50 : i1
      %add3A_57 = arith.addi %rem3A, %select_n3A : i32
      %select_n3A_58 = arith.select %and3A_56, %add3A_57, %rem3A : i32
      %eq3A_59 = arith.constant 0 : i32
      %eq3A_60 = arith.cmpi eq, %select_n3A_58, %eq3A_59 : i32
      %convert_element_type3A_61 = arith.extui %eq3A_60 : i1 to i32
      %cond3A_62 = arith.constant 0 : i32
      %cond3A_63 = arith.cmpi ne, %convert_element_type3A_61, %cond3A_62 : i32
      scf.if %cond3A_63 {
        %ge3A_107 = arith.constant 3 : i32
        %ge3A_108 = arith.cmpi sge, %scan3A_46, %ge3A_107 : i32
        %convert_element_type3A_109 = arith.extui %ge3A_108 : i1 to i32
        %cond3A_110 = arith.constant 0 : i32
        %cond3A_111 = arith.cmpi ne, %convert_element_type3A_109, %cond3A_110 : i32
        scf.if %cond3A_111 {
          %dma_wait3A_158 = arith.constant 0 : i32
          %dma_wait3A_159 = tpu.memref_slice %arg5[%multiple_of3A, %dma_wait3A_158] : memref<32768x1024xf32, #tpu.memory_space<hbm>> -> memref<16x1024xf32, #tpu.memory_space<hbm>>
          %dma_wait3A_160 = arith.constant 0 : i32
          %dma_wait3A_161 = arith.constant 0 : i32
          %dma_wait3A_162 = tpu.memref_slice %arg16[%arg1, %dma_wait3A_160, %dma_wait3A_161] : memref<16x16x1024xf32, #tpu.memory_space<vmem_shared>> -> memref<1x16x1024xf32, #tpu.memory_space<vmem_shared>>
          %dma_wait3A_163 = tpu.memref_squeeze %dma_wait3A_162 : memref<1x16x1024xf32, #tpu.memory_space<vmem_shared>> -> memref<16x1024xf32, #tpu.memory_space<vmem_shared>>
          tpu.wait_dma2 semaphore(%arg13 : memref<!tpu.dma_semaphore, #tpu.memory_space<semaphore_mem>>) src(%dma_wait3A_163 : memref<16x1024xf32, #tpu.memory_space<vmem_shared>>) dst(%dma_wait3A_159 : memref<16x1024xf32, #tpu.memory_space<hbm>>)
        } else {
        }
        %mul3A_112 = arith.constant 16 : i32
        %mul3A_113 = arith.muli %scan3A_46, %mul3A_112 : i32
        %add3A_114 = arith.addi %multiple_of3A, %mul3A_113 : i32
        %multiple_of3A_115 = tpu.assume_multiple %add3A_114, 16 : i32
        %jit3A_116 = arith.constant 2 : i32
        %eq3A_117 = arith.constant 0 : i32
        %eq3A_118 = arith.cmpi eq, %jit3A_116, %eq3A_117 : i32
        %jit3A_119 = arith.constant 1 : i32
        %select_n3A_120 = arith.select %eq3A_118, %jit3A_119, %jit3A_116 : i32
        %rem3A_121 = arith.remsi %scan3A_46, %select_n3A_120 : i32
        %ne3A_122 = arith.constant 0 : i32
        %ne3A_123 = arith.cmpi ne, %rem3A_121, %ne3A_122 : i32
        %lt3A_124 = arith.constant 0 : i32
        %lt3A_125 = arith.cmpi slt, %rem3A_121, %lt3A_124 : i32
        %lt3A_126 = arith.constant 0 : i32
        %lt3A_127 = arith.cmpi slt, %select_n3A_120, %lt3A_126 : i32
        %ne3A_128 = arith.xori %lt3A_125, %lt3A_127 : i1
        %and3A_129 = arith.andi %ne3A_128, %ne3A_123 : i1
        %add3A_130 = arith.addi %rem3A_121, %select_n3A_120 : i32
        %select_n3A_131 = arith.select %and3A_129, %add3A_130, %rem3A_121 : i32
        %eq3A_132 = arith.constant 0 : i32
        %eq3A_133 = arith.cmpi eq, %select_n3A_131, %eq3A_132 : i32
        %convert_element_type3A_134 = arith.extui %eq3A_133 : i1 to i32
        %cond3A_135 = arith.constant 0 : i32
        %cond3A_136 = arith.cmpi ne, %convert_element_type3A_134, %cond3A_135 : i32
        scf.if %cond3A_136 {
          %dma_start3A = arith.constant 0 : i32
          %dma_start3A_158 = arith.constant 0 : i32
          %dma_start3A_159 = tpu.memref_slice %arg7[%dma_start3A, %dma_start3A_158] : memref<32x1024xf32, #tpu.memory_space<vmem>> -> memref<16x1024xf32, #tpu.memory_space<vmem>>
          %dma_start3A_160 = arith.constant 0 : i32
          %dma_start3A_161 = tpu.memref_slice %arg5[%multiple_of3A_115, %dma_start3A_160] : memref<32768x1024xf32, #tpu.memory_space<hbm>> -> memref<16x1024xf32, #tpu.memory_space<hbm>>
          %dma_start3A_162 = arith.constant 0 : i32
          %dma_start3A_163 = tpu.memref_slice %arg5[%multiple_of3A_115, %dma_start3A_162] : memref<32768x1024xf32, #tpu.memory_space<hbm>> -> memref<16x1024xf32, #tpu.memory_space<hbm>>
          %dma_start3A_164 = arith.constant 0 : i32
          %dma_start3A_165 = arith.constant 0 : i32
          %dma_start3A_166 = tpu.memref_slice %arg7[%dma_start3A_164, %dma_start3A_165] : memref<32x1024xf32, #tpu.memory_space<vmem>> -> memref<16x1024xf32, #tpu.memory_space<vmem>>
          tpu.enqueue_dma source(%dma_start3A_166 : memref<16x1024xf32, #tpu.memory_space<vmem>>) target(%dma_start3A_163 : memref<16x1024xf32, #tpu.memory_space<hbm>>) target_semaphore(%arg13 : memref<!tpu.dma_semaphore, #tpu.memory_space<semaphore_mem>>)
        } else {
        }
        %jit3A_137 = arith.constant 2 : i32
        %eq3A_138 = arith.constant 0 : i32
        %eq3A_139 = arith.cmpi eq, %jit3A_137, %eq3A_138 : i32
        %jit3A_140 = arith.constant 1 : i32
        %select_n3A_141 = arith.select %eq3A_139, %jit3A_140, %jit3A_137 : i32
        %rem3A_142 = arith.remsi %scan3A_46, %select_n3A_141 : i32
        %ne3A_143 = arith.constant 0 : i32
        %ne3A_144 = arith.cmpi ne, %rem3A_142, %ne3A_143 : i32
        %lt3A_145 = arith.constant 0 : i32
        %lt3A_146 = arith.cmpi slt, %rem3A_142, %lt3A_145 : i32
        %lt3A_147 = arith.constant 0 : i32
        %lt3A_148 = arith.cmpi slt, %select_n3A_141, %lt3A_147 : i32
        %ne3A_149 = arith.xori %lt3A_146, %lt3A_148 : i1
        %and3A_150 = arith.andi %ne3A_149, %ne3A_144 : i1
        %add3A_151 = arith.addi %rem3A_142, %select_n3A_141 : i32
        %select_n3A_152 = arith.select %and3A_150, %add3A_151, %rem3A_142 : i32
        %eq3A_153 = arith.constant 1 : i32
        %eq3A_154 = arith.cmpi eq, %select_n3A_152, %eq3A_153 : i32
        %convert_element_type3A_155 = arith.extui %eq3A_154 : i1 to i32
        %cond3A_156 = arith.constant 0 : i32
        %cond3A_157 = arith.cmpi ne, %convert_element_type3A_155, %cond3A_156 : i32
        scf.if %cond3A_157 {
          %dma_start3A = arith.constant 0 : i32
          %dma_start3A_158 = tpu.memref_slice %arg5[%multiple_of3A_115, %dma_start3A] : memref<32768x1024xf32, #tpu.memory_space<hbm>> -> memref<16x1024xf32, #tpu.memory_space<hbm>>
          %dma_start3A_159 = arith.constant 0 : i32
          %dma_start3A_160 = arith.constant 0 : i32
          %dma_start3A_161 = tpu.memref_slice %arg16[%arg1, %dma_start3A_159, %dma_start3A_160] : memref<16x16x1024xf32, #tpu.memory_space<vmem_shared>> -> memref<1x16x1024xf32, #tpu.memory_space<vmem_shared>>
          %dma_start3A_162 = tpu.memref_squeeze %dma_start3A_161 : memref<1x16x1024xf32, #tpu.memory_space<vmem_shared>> -> memref<16x1024xf32, #tpu.memory_space<vmem_shared>>
          tpu.enqueue_dma source(%dma_start3A_162 : memref<16x1024xf32, #tpu.memory_space<vmem_shared>>) target(%dma_start3A_158 : memref<16x1024xf32, #tpu.memory_space<hbm>>) target_semaphore(%arg13 : memref<!tpu.dma_semaphore, #tpu.memory_space<semaphore_mem>>)
        } else {
        }
      } else {
      }
      %jit3A_64 = arith.constant 3 : i32
      %eq3A_65 = arith.constant 0 : i32
      %eq3A_66 = arith.cmpi eq, %jit3A_64, %eq3A_65 : i32
      %jit3A_67 = arith.constant 1 : i32
      %select_n3A_68 = arith.select %eq3A_66, %jit3A_67, %jit3A_64 : i32
      %rem3A_69 = arith.remsi %scan3A_46, %select_n3A_68 : i32
      %ne3A_70 = arith.constant 0 : i32
      %ne3A_71 = arith.cmpi ne, %rem3A_69, %ne3A_70 : i32
      %lt3A_72 = arith.constant 0 : i32
      %lt3A_73 = arith.cmpi slt, %rem3A_69, %lt3A_72 : i32
      %lt3A_74 = arith.constant 0 : i32
      %lt3A_75 = arith.cmpi slt, %select_n3A_68, %lt3A_74 : i32
      %ne3A_76 = arith.xori %lt3A_73, %lt3A_75 : i1
      %and3A_77 = arith.andi %ne3A_76, %ne3A_71 : i1
      %add3A_78 = arith.addi %rem3A_69, %select_n3A_68 : i32
      %select_n3A_79 = arith.select %and3A_77, %add3A_78, %rem3A_69 : i32
      %eq3A_80 = arith.constant 1 : i32
      %eq3A_81 = arith.cmpi eq, %select_n3A_79, %eq3A_80 : i32
      %convert_element_type3A_82 = arith.extui %eq3A_81 : i1 to i32
      %cond3A_83 = arith.constant 0 : i32
      %cond3A_84 = arith.cmpi ne, %convert_element_type3A_82, %cond3A_83 : i32
      scf.if %cond3A_84 {
        %ge3A_107 = arith.constant 3 : i32
        %ge3A_108 = arith.cmpi sge, %scan3A_46, %ge3A_107 : i32
        %convert_element_type3A_109 = arith.extui %ge3A_108 : i1 to i32
        %cond3A_110 = arith.constant 0 : i32
        %cond3A_111 = arith.cmpi ne, %convert_element_type3A_109, %cond3A_110 : i32
        scf.if %cond3A_111 {
          %dma_wait3A_158 = arith.constant 0 : i32
          %dma_wait3A_159 = tpu.memref_slice %arg5[%multiple_of3A, %dma_wait3A_158] : memref<32768x1024xf32, #tpu.memory_space<hbm>> -> memref<16x1024xf32, #tpu.memory_space<hbm>>
          %dma_wait3A_160 = arith.constant 0 : i32
          %dma_wait3A_161 = arith.constant 0 : i32
          %dma_wait3A_162 = tpu.memref_slice %arg16[%arg1, %dma_wait3A_160, %dma_wait3A_161] : memref<16x16x1024xf32, #tpu.memory_space<vmem_shared>> -> memref<1x16x1024xf32, #tpu.memory_space<vmem_shared>>
          %dma_wait3A_163 = tpu.memref_squeeze %dma_wait3A_162 : memref<1x16x1024xf32, #tpu.memory_space<vmem_shared>> -> memref<16x1024xf32, #tpu.memory_space<vmem_shared>>
          tpu.wait_dma2 semaphore(%arg14 : memref<!tpu.dma_semaphore, #tpu.memory_space<semaphore_mem>>) src(%dma_wait3A_163 : memref<16x1024xf32, #tpu.memory_space<vmem_shared>>) dst(%dma_wait3A_159 : memref<16x1024xf32, #tpu.memory_space<hbm>>)
        } else {
        }
        %mul3A_112 = arith.constant 16 : i32
        %mul3A_113 = arith.muli %scan3A_46, %mul3A_112 : i32
        %add3A_114 = arith.addi %multiple_of3A, %mul3A_113 : i32
        %multiple_of3A_115 = tpu.assume_multiple %add3A_114, 16 : i32
        %jit3A_116 = arith.constant 2 : i32
        %eq3A_117 = arith.constant 0 : i32
        %eq3A_118 = arith.cmpi eq, %jit3A_116, %eq3A_117 : i32
        %jit3A_119 = arith.constant 1 : i32
        %select_n3A_120 = arith.select %eq3A_118, %jit3A_119, %jit3A_116 : i32
        %rem3A_121 = arith.remsi %scan3A_46, %select_n3A_120 : i32
        %ne3A_122 = arith.constant 0 : i32
        %ne3A_123 = arith.cmpi ne, %rem3A_121, %ne3A_122 : i32
        %lt3A_124 = arith.constant 0 : i32
        %lt3A_125 = arith.cmpi slt, %rem3A_121, %lt3A_124 : i32
        %lt3A_126 = arith.constant 0 : i32
        %lt3A_127 = arith.cmpi slt, %select_n3A_120, %lt3A_126 : i32
        %ne3A_128 = arith.xori %lt3A_125, %lt3A_127 : i1
        %and3A_129 = arith.andi %ne3A_128, %ne3A_123 : i1
        %add3A_130 = arith.addi %rem3A_121, %select_n3A_120 : i32
        %select_n3A_131 = arith.select %and3A_129, %add3A_130, %rem3A_121 : i32
        %eq3A_132 = arith.constant 0 : i32
        %eq3A_133 = arith.cmpi eq, %select_n3A_131, %eq3A_132 : i32
        %convert_element_type3A_134 = arith.extui %eq3A_133 : i1 to i32
        %cond3A_135 = arith.constant 0 : i32
        %cond3A_136 = arith.cmpi ne, %convert_element_type3A_134, %cond3A_135 : i32
        scf.if %cond3A_136 {
          %dma_start3A = arith.constant 0 : i32
          %dma_start3A_158 = arith.constant 0 : i32
          %dma_start3A_159 = tpu.memref_slice %arg8[%dma_start3A, %dma_start3A_158] : memref<32x1024xf32, #tpu.memory_space<vmem>> -> memref<16x1024xf32, #tpu.memory_space<vmem>>
          %dma_start3A_160 = arith.constant 0 : i32
          %dma_start3A_161 = tpu.memref_slice %arg5[%multiple_of3A_115, %dma_start3A_160] : memref<32768x1024xf32, #tpu.memory_space<hbm>> -> memref<16x1024xf32, #tpu.memory_space<hbm>>
          %dma_start3A_162 = arith.constant 0 : i32
          %dma_start3A_163 = tpu.memref_slice %arg5[%multiple_of3A_115, %dma_start3A_162] : memref<32768x1024xf32, #tpu.memory_space<hbm>> -> memref<16x1024xf32, #tpu.memory_space<hbm>>
          %dma_start3A_164 = arith.constant 0 : i32
          %dma_start3A_165 = arith.constant 0 : i32
          %dma_start3A_166 = tpu.memref_slice %arg8[%dma_start3A_164, %dma_start3A_165] : memref<32x1024xf32, #tpu.memory_space<vmem>> -> memref<16x1024xf32, #tpu.memory_space<vmem>>
          tpu.enqueue_dma source(%dma_start3A_166 : memref<16x1024xf32, #tpu.memory_space<vmem>>) target(%dma_start3A_163 : memref<16x1024xf32, #tpu.memory_space<hbm>>) target_semaphore(%arg14 : memref<!tpu.dma_semaphore, #tpu.memory_space<semaphore_mem>>)
        } else {
        }
        %jit3A_137 = arith.constant 2 : i32
        %eq3A_138 = arith.constant 0 : i32
        %eq3A_139 = arith.cmpi eq, %jit3A_137, %eq3A_138 : i32
        %jit3A_140 = arith.constant 1 : i32
        %select_n3A_141 = arith.select %eq3A_139, %jit3A_140, %jit3A_137 : i32
        %rem3A_142 = arith.remsi %scan3A_46, %select_n3A_141 : i32
        %ne3A_143 = arith.constant 0 : i32
        %ne3A_144 = arith.cmpi ne, %rem3A_142, %ne3A_143 : i32
        %lt3A_145 = arith.constant 0 : i32
        %lt3A_146 = arith.cmpi slt, %rem3A_142, %lt3A_145 : i32
        %lt3A_147 = arith.constant 0 : i32
        %lt3A_148 = arith.cmpi slt, %select_n3A_141, %lt3A_147 : i32
        %ne3A_149 = arith.xori %lt3A_146, %lt3A_148 : i1
        %and3A_150 = arith.andi %ne3A_149, %ne3A_144 : i1
        %add3A_151 = arith.addi %rem3A_142, %select_n3A_141 : i32
        %select_n3A_152 = arith.select %and3A_150, %add3A_151, %rem3A_142 : i32
        %eq3A_153 = arith.constant 1 : i32
        %eq3A_154 = arith.cmpi eq, %select_n3A_152, %eq3A_153 : i32
        %convert_element_type3A_155 = arith.extui %eq3A_154 : i1 to i32
        %cond3A_156 = arith.constant 0 : i32
        %cond3A_157 = arith.cmpi ne, %convert_element_type3A_155, %cond3A_156 : i32
        scf.if %cond3A_157 {
          %dma_start3A = arith.constant 0 : i32
          %dma_start3A_158 = tpu.memref_slice %arg5[%multiple_of3A_115, %dma_start3A] : memref<32768x1024xf32, #tpu.memory_space<hbm>> -> memref<16x1024xf32, #tpu.memory_space<hbm>>
          %dma_start3A_159 = arith.constant 0 : i32
          %dma_start3A_160 = arith.constant 0 : i32
          %dma_start3A_161 = tpu.memref_slice %arg16[%arg1, %dma_start3A_159, %dma_start3A_160] : memref<16x16x1024xf32, #tpu.memory_space<vmem_shared>> -> memref<1x16x1024xf32, #tpu.memory_space<vmem_shared>>
          %dma_start3A_162 = tpu.memref_squeeze %dma_start3A_161 : memref<1x16x1024xf32, #tpu.memory_space<vmem_shared>> -> memref<16x1024xf32, #tpu.memory_space<vmem_shared>>
          tpu.enqueue_dma source(%dma_start3A_162 : memref<16x1024xf32, #tpu.memory_space<vmem_shared>>) target(%dma_start3A_158 : memref<16x1024xf32, #tpu.memory_space<hbm>>) target_semaphore(%arg14 : memref<!tpu.dma_semaphore, #tpu.memory_space<semaphore_mem>>)
        } else {
        }
      } else {
      }
      %jit3A_85 = arith.constant 3 : i32
      %eq3A_86 = arith.constant 0 : i32
      %eq3A_87 = arith.cmpi eq, %jit3A_85, %eq3A_86 : i32
      %jit3A_88 = arith.constant 1 : i32
      %select_n3A_89 = arith.select %eq3A_87, %jit3A_88, %jit3A_85 : i32
      %rem3A_90 = arith.remsi %scan3A_46, %select_n3A_89 : i32
      %ne3A_91 = arith.constant 0 : i32
      %ne3A_92 = arith.cmpi ne, %rem3A_90, %ne3A_91 : i32
      %lt3A_93 = arith.constant 0 : i32
      %lt3A_94 = arith.cmpi slt, %rem3A_90, %lt3A_93 : i32
      %lt3A_95 = arith.constant 0 : i32
      %lt3A_96 = arith.cmpi slt, %select_n3A_89, %lt3A_95 : i32
      %ne3A_97 = arith.xori %lt3A_94, %lt3A_96 : i1
      %and3A_98 = arith.andi %ne3A_97, %ne3A_92 : i1
      %add3A_99 = arith.addi %rem3A_90, %select_n3A_89 : i32
      %select_n3A_100 = arith.select %and3A_98, %add3A_99, %rem3A_90 : i32
      %eq3A_101 = arith.constant 2 : i32
      %eq3A_102 = arith.cmpi eq, %select_n3A_100, %eq3A_101 : i32
      %convert_element_type3A_103 = arith.extui %eq3A_102 : i1 to i32
      %cond3A_104 = arith.constant 0 : i32
      %cond3A_105 = arith.cmpi ne, %convert_element_type3A_103, %cond3A_104 : i32
      scf.if %cond3A_105 {
        %ge3A_107 = arith.constant 3 : i32
        %ge3A_108 = arith.cmpi sge, %scan3A_46, %ge3A_107 : i32
        %convert_element_type3A_109 = arith.extui %ge3A_108 : i1 to i32
        %cond3A_110 = arith.constant 0 : i32
        %cond3A_111 = arith.cmpi ne, %convert_element_type3A_109, %cond3A_110 : i32
        scf.if %cond3A_111 {
          %dma_wait3A_158 = arith.constant 0 : i32
          %dma_wait3A_159 = tpu.memref_slice %arg5[%multiple_of3A, %dma_wait3A_158] : memref<32768x1024xf32, #tpu.memory_space<hbm>> -> memref<16x1024xf32, #tpu.memory_space<hbm>>
          %dma_wait3A_160 = arith.constant 0 : i32
          %dma_wait3A_161 = arith.constant 0 : i32
          %dma_wait3A_162 = tpu.memref_slice %arg16[%arg1, %dma_wait3A_160, %dma_wait3A_161] : memref<16x16x1024xf32, #tpu.memory_space<vmem_shared>> -> memref<1x16x1024xf32, #tpu.memory_space<vmem_shared>>
          %dma_wait3A_163 = tpu.memref_squeeze %dma_wait3A_162 : memref<1x16x1024xf32, #tpu.memory_space<vmem_shared>> -> memref<16x1024xf32, #tpu.memory_space<vmem_shared>>
          tpu.wait_dma2 semaphore(%arg15 : memref<!tpu.dma_semaphore, #tpu.memory_space<semaphore_mem>>) src(%dma_wait3A_163 : memref<16x1024xf32, #tpu.memory_space<vmem_shared>>) dst(%dma_wait3A_159 : memref<16x1024xf32, #tpu.memory_space<hbm>>)
        } else {
        }
        %mul3A_112 = arith.constant 16 : i32
        %mul3A_113 = arith.muli %scan3A_46, %mul3A_112 : i32
        %add3A_114 = arith.addi %multiple_of3A, %mul3A_113 : i32
        %multiple_of3A_115 = tpu.assume_multiple %add3A_114, 16 : i32
        %jit3A_116 = arith.constant 2 : i32
        %eq3A_117 = arith.constant 0 : i32
        %eq3A_118 = arith.cmpi eq, %jit3A_116, %eq3A_117 : i32
        %jit3A_119 = arith.constant 1 : i32
        %select_n3A_120 = arith.select %eq3A_118, %jit3A_119, %jit3A_116 : i32
        %rem3A_121 = arith.remsi %scan3A_46, %select_n3A_120 : i32
        %ne3A_122 = arith.constant 0 : i32
        %ne3A_123 = arith.cmpi ne, %rem3A_121, %ne3A_122 : i32
        %lt3A_124 = arith.constant 0 : i32
        %lt3A_125 = arith.cmpi slt, %rem3A_121, %lt3A_124 : i32
        %lt3A_126 = arith.constant 0 : i32
        %lt3A_127 = arith.cmpi slt, %select_n3A_120, %lt3A_126 : i32
        %ne3A_128 = arith.xori %lt3A_125, %lt3A_127 : i1
        %and3A_129 = arith.andi %ne3A_128, %ne3A_123 : i1
        %add3A_130 = arith.addi %rem3A_121, %select_n3A_120 : i32
        %select_n3A_131 = arith.select %and3A_129, %add3A_130, %rem3A_121 : i32
        %eq3A_132 = arith.constant 0 : i32
        %eq3A_133 = arith.cmpi eq, %select_n3A_131, %eq3A_132 : i32
        %convert_element_type3A_134 = arith.extui %eq3A_133 : i1 to i32
        %cond3A_135 = arith.constant 0 : i32
        %cond3A_136 = arith.cmpi ne, %convert_element_type3A_134, %cond3A_135 : i32
        scf.if %cond3A_136 {
          %dma_start3A = arith.constant 0 : i32
          %dma_start3A_158 = arith.constant 0 : i32
          %dma_start3A_159 = tpu.memref_slice %arg9[%dma_start3A, %dma_start3A_158] : memref<32x1024xf32, #tpu.memory_space<vmem>> -> memref<16x1024xf32, #tpu.memory_space<vmem>>
          %dma_start3A_160 = arith.constant 0 : i32
          %dma_start3A_161 = tpu.memref_slice %arg5[%multiple_of3A_115, %dma_start3A_160] : memref<32768x1024xf32, #tpu.memory_space<hbm>> -> memref<16x1024xf32, #tpu.memory_space<hbm>>
          %dma_start3A_162 = arith.constant 0 : i32
          %dma_start3A_163 = tpu.memref_slice %arg5[%multiple_of3A_115, %dma_start3A_162] : memref<32768x1024xf32, #tpu.memory_space<hbm>> -> memref<16x1024xf32, #tpu.memory_space<hbm>>
          %dma_start3A_164 = arith.constant 0 : i32
          %dma_start3A_165 = arith.constant 0 : i32
          %dma_start3A_166 = tpu.memref_slice %arg9[%dma_start3A_164, %dma_start3A_165] : memref<32x1024xf32, #tpu.memory_space<vmem>> -> memref<16x1024xf32, #tpu.memory_space<vmem>>
          tpu.enqueue_dma source(%dma_start3A_166 : memref<16x1024xf32, #tpu.memory_space<vmem>>) target(%dma_start3A_163 : memref<16x1024xf32, #tpu.memory_space<hbm>>) target_semaphore(%arg15 : memref<!tpu.dma_semaphore, #tpu.memory_space<semaphore_mem>>)
        } else {
        }
        %jit3A_137 = arith.constant 2 : i32
        %eq3A_138 = arith.constant 0 : i32
        %eq3A_139 = arith.cmpi eq, %jit3A_137, %eq3A_138 : i32
        %jit3A_140 = arith.constant 1 : i32
        %select_n3A_141 = arith.select %eq3A_139, %jit3A_140, %jit3A_137 : i32
        %rem3A_142 = arith.remsi %scan3A_46, %select_n3A_141 : i32
        %ne3A_143 = arith.constant 0 : i32
        %ne3A_144 = arith.cmpi ne, %rem3A_142, %ne3A_143 : i32
        %lt3A_145 = arith.constant 0 : i32
        %lt3A_146 = arith.cmpi slt, %rem3A_142, %lt3A_145 : i32
        %lt3A_147 = arith.constant 0 : i32
        %lt3A_148 = arith.cmpi slt, %select_n3A_141, %lt3A_147 : i32
        %ne3A_149 = arith.xori %lt3A_146, %lt3A_148 : i1
        %and3A_150 = arith.andi %ne3A_149, %ne3A_144 : i1
        %add3A_151 = arith.addi %rem3A_142, %select_n3A_141 : i32
        %select_n3A_152 = arith.select %and3A_150, %add3A_151, %rem3A_142 : i32
        %eq3A_153 = arith.constant 1 : i32
        %eq3A_154 = arith.cmpi eq, %select_n3A_152, %eq3A_153 : i32
        %convert_element_type3A_155 = arith.extui %eq3A_154 : i1 to i32
        %cond3A_156 = arith.constant 0 : i32
        %cond3A_157 = arith.cmpi ne, %convert_element_type3A_155, %cond3A_156 : i32
        scf.if %cond3A_157 {
          %dma_start3A = arith.constant 0 : i32
          %dma_start3A_158 = tpu.memref_slice %arg5[%multiple_of3A_115, %dma_start3A] : memref<32768x1024xf32, #tpu.memory_space<hbm>> -> memref<16x1024xf32, #tpu.memory_space<hbm>>
          %dma_start3A_159 = arith.constant 0 : i32
          %dma_start3A_160 = arith.constant 0 : i32
          %dma_start3A_161 = tpu.memref_slice %arg16[%arg1, %dma_start3A_159, %dma_start3A_160] : memref<16x16x1024xf32, #tpu.memory_space<vmem_shared>> -> memref<1x16x1024xf32, #tpu.memory_space<vmem_shared>>
          %dma_start3A_162 = tpu.memref_squeeze %dma_start3A_161 : memref<1x16x1024xf32, #tpu.memory_space<vmem_shared>> -> memref<16x1024xf32, #tpu.memory_space<vmem_shared>>
          tpu.enqueue_dma source(%dma_start3A_162 : memref<16x1024xf32, #tpu.memory_space<vmem_shared>>) target(%dma_start3A_158 : memref<16x1024xf32, #tpu.memory_space<hbm>>) target_semaphore(%arg15 : memref<!tpu.dma_semaphore, #tpu.memory_space<semaphore_mem>>)
        } else {
        }
      } else {
      }
      %scan3A_106 = arith.constant 0 : i32
      scf.yield %scan3A_106 : i32
    }
    %scan3A_28 = arith.constant 64 : i32
    %dma_wait3A = arith.constant 0 : i32
    %dma_wait3A_29 = tpu.memref_slice %arg5[%multiple_of3A, %dma_wait3A] : memref<32768x1024xf32, #tpu.memory_space<hbm>> -> memref<16x1024xf32, #tpu.memory_space<hbm>>
    %dma_wait3A_30 = arith.constant 0 : i32
    %dma_wait3A_31 = arith.constant 0 : i32
    %dma_wait3A_32 = tpu.memref_slice %arg16[%arg1, %dma_wait3A_30, %dma_wait3A_31] : memref<16x16x1024xf32, #tpu.memory_space<vmem_shared>> -> memref<1x16x1024xf32, #tpu.memory_space<vmem_shared>>
    %dma_wait3A_33 = tpu.memref_squeeze %dma_wait3A_32 : memref<1x16x1024xf32, #tpu.memory_space<vmem_shared>> -> memref<16x1024xf32, #tpu.memory_space<vmem_shared>>
    tpu.wait_dma2 semaphore(%arg13 : memref<!tpu.dma_semaphore, #tpu.memory_space<semaphore_mem>>) src(%dma_wait3A_33 : memref<16x1024xf32, #tpu.memory_space<vmem_shared>>) dst(%dma_wait3A_29 : memref<16x1024xf32, #tpu.memory_space<hbm>>)
    %dma_wait3A_34 = arith.constant 0 : i32
    %dma_wait3A_35 = tpu.memref_slice %arg5[%multiple_of3A, %dma_wait3A_34] : memref<32768x1024xf32, #tpu.memory_space<hbm>> -> memref<16x1024xf32, #tpu.memory_space<hbm>>
    %dma_wait3A_36 = arith.constant 0 : i32
    %dma_wait3A_37 = arith.constant 0 : i32
    %dma_wait3A_38 = tpu.memref_slice %arg16[%arg1, %dma_wait3A_36, %dma_wait3A_37] : memref<16x16x1024xf32, #tpu.memory_space<vmem_shared>> -> memref<1x16x1024xf32, #tpu.memory_space<vmem_shared>>
    %dma_wait3A_39 = tpu.memref_squeeze %dma_wait3A_38 : memref<1x16x1024xf32, #tpu.memory_space<vmem_shared>> -> memref<16x1024xf32, #tpu.memory_space<vmem_shared>>
    tpu.wait_dma2 semaphore(%arg14 : memref<!tpu.dma_semaphore, #tpu.memory_space<semaphore_mem>>) src(%dma_wait3A_39 : memref<16x1024xf32, #tpu.memory_space<vmem_shared>>) dst(%dma_wait3A_35 : memref<16x1024xf32, #tpu.memory_space<hbm>>)
    %dma_wait3A_40 = arith.constant 0 : i32
    %dma_wait3A_41 = tpu.memref_slice %arg5[%multiple_of3A, %dma_wait3A_40] : memref<32768x1024xf32, #tpu.memory_space<hbm>> -> memref<16x1024xf32, #tpu.memory_space<hbm>>
    %dma_wait3A_42 = arith.constant 0 : i32
    %dma_wait3A_43 = arith.constant 0 : i32
    %dma_wait3A_44 = tpu.memref_slice %arg16[%arg1, %dma_wait3A_42, %dma_wait3A_43] : memref<16x16x1024xf32, #tpu.memory_space<vmem_shared>> -> memref<1x16x1024xf32, #tpu.memory_space<vmem_shared>>
    %dma_wait3A_45 = tpu.memref_squeeze %dma_wait3A_44 : memref<1x16x1024xf32, #tpu.memory_space<vmem_shared>> -> memref<16x1024xf32, #tpu.memory_space<vmem_shared>>
    tpu.wait_dma2 semaphore(%arg15 : memref<!tpu.dma_semaphore, #tpu.memory_space<semaphore_mem>>) src(%dma_wait3A_45 : memref<16x1024xf32, #tpu.memory_space<vmem_shared>>) dst(%dma_wait3A_41 : memref<16x1024xf32, #tpu.memory_space<hbm>>)
    return
  }
}

</mosaic_0001>

<sc_bundles>
// kernel: kernel.3.cloned.1.call-start
scs
__scs_entry_jumppad:
0x0: {  	(pc) =	sbr.rel $0x88, $3  }
0x1: {  	(tag) =	ssettag $0x0;
	lr =	simm.s32 $0x1  }
0x2: {  	[smem:$0x3F9D] =	sst lr;
	_ =	strace $0xD0000000  }
0x3: {  	_ = 	snop  }
0x4: {  	_ = 	snop  }
0x5: {  	_ = 	snop  }
0x6: {  	_ = 	snop  }
0x7: {  	_ = 	snop  }
__scs_overlays_trampoline_lowered:
0x8: {  	[smem:$0x3FAC] =	sst s0  }
0x9: {  	[smem:$0x3FAD] =	sst s1  }
0xa: {  	[smem:$0x3FAE] =	sst s2  }
0xb: {  	[smem:$0x3FAF] =	sst s3  }
0xc: {  	[smem:$0x3FB0] =	sst s4  }
0xd: {  	[smem:$0x3FB1] =	sst s5  }
0xe: {  	[smem:$0x3FB2] =	sst s6  }
0xf: {  	[smem:$0x3FB3] =	sst s7  }
0x10: {  	[smem:$0x3FB4] =	sst s8  }
0x11: {  	[smem:$0x3FB5] =	sst s9;
	s0 =	simm.s32 @!p0 $0x0  }
0x12: {  	s1 =	sld [smem:$0x3F9B];
	s0 =	simm.s32 @p0 $0x1  }
0x13: {  	[smem:$0x3FB6] =	sst s0;
	s0 =	simm.s32 @!p1 $0x0  }
0x14: {  	s2 =	sld [smem:$0x3F9A];
	s0 =	simm.s32 @p1 $0x1  }
0x15: {  	[smem:$0x3FB7] =	sst s0;
	s0 =	simm.s32 @!p2 $0x0  }
0x16: {  	s3 =	sld [smem:$0x3FDB];
	s0 =	simm.s32 @p2 $0x1  }
0x17: {  	s4 =	simm.s32 $0x1BF5;
	[smem:$0x3FB9] =	sst s0  }
0x18: {  	s0 =	sld [smem:$0x3F9C];
	_ =	swait.ge [sflag:s4], $0x0  }
0x19: {  	s7 =	sld [smem:$0x3F9D]  }
0x1a: {  	s8 =	sadd.s32 $0xFFFFE003, lr  }
0x1b: {  	s9 =	sadd.s32 $0xFFFFFEF7, lr;
	s5 =	simm.s32 $0xFFFFFFFF;
	p2 =	slt.u32 s8, $0xFFFFF086  }
0x1c: {  	p1 =	slt.u32 s9, $0xF7A;
	s5 =	simm.s32 @!p2 $0x0  }
0x1d: {  	s5 =	simm.s32 @p1 $0x1;
	p0 =	seq.s32 s7, s2  }
0x1e: {  	s7 =	smul.u32 @!p0 $0xF7A, s2;
	p2 =	seq.s32 @!p0 s5, $0x0  }
0x1f: {  	s9 =	smul.u32 $0xF7A, s1;
	s8 =	simm.s32 @!p0 $0x1BF5;
	p2 =	por !p2, p0  }
0x20: {  	[sflag:s8] =	ssyncset.s32 @!p0 $0xFFFFF086;
	s6 =	sadd.s32 @!p0 s3, s7;
	s7 =	simm.s32 @!p0 $0x108  }
0x21: {  	s3 =	sadd.s32 s3, s9;
	s6 =	sadd.s32 @!p0 $0x88, s6;
	s7 =	simm.s32 @p2 $0x1082  }
0x22: {  	[simem:s7], [sflag:s8] =	dma.local @!p0 [hbm:s6], $0xF7A  }
0x23: {  	s9 =	sor.u32 $0xD0000000, s2;
	s6 =	simm.s32 $0x108;
	_ =	swait.ge @!p0 [sflag:s8], $0x0  }
0x24: {  	s3 =	sadd.s32 $0x88, s3;
	s6 =	simm.s32 @!p1 $0x1082;
	[sflag:s4] =	ssyncset.s32 $0xFFFFF086  }
0x25: {  	[simem:s6], [sflag:s4] =	dma.local [hbm:s3], $0xF7A  }
0x26: {  	[smem:$0x3F9D] =	sst s1;
	(tag) =	ssettag s2;
	_ =	strace s9  }
0x27: {  	s1 =	sld [smem:$0x3FAD]  }
0x28: {  	s2 =	sld [smem:$0x3FAE]  }
0x29: {  	s4 =	sld [smem:$0x3FB0]  }
0x2a: {  	p0 =	seq.s32 s5, $0x0;
	s5 =	sld [smem:$0x3FB1]  }
0x2b: {  	s6 =	sld [smem:$0x3FB2]  }
0x2c: {  	s7 =	sld [smem:$0x3FB3]  }
0x2d: {  	s3 =	simm.s32 $0x108;
	s8 =	sld [smem:$0x3FB4]  }
0x2e: {  	s3 =	simm.s32 @!p0 $0x1082;
	s9 =	sld [smem:$0x3FB5]  }
0x2f: {  	lr =	sadd.s32 s0, s3;
	s0 =	sld [smem:$0x3FAC]  }
0x30: {  	s3 =	sld [smem:$0x3FAF]  }
0x31: {  	[smem:$0x3FB8] =	sst s10  }
0x32: {  	s10 =	sld [smem:$0x3FB6];
	_ =	sdelay $0x3  }
0x33: {  	p0 =	seq.s32 s10, $0x1;
	s10 =	sld [smem:$0x3FB8];
	_ =	sdelay $0x3  }
0x34: {  	[smem:$0x3FB8] =	sst s10  }
0x35: {  	s10 =	sld [smem:$0x3FB7];
	_ =	sdelay $0x3  }
0x36: {  	p1 =	seq.s32 s10, $0x1;
	s10 =	sld [smem:$0x3FB8];
	_ =	sdelay $0x3  }
0x37: {  	[smem:$0x3FB8] =	sst s10  }
0x38: {  	s10 =	sld [smem:$0x3FB9]  }
0x39: {  	_ = 	snop;
	(pc) =	sbr.ind lr, $3  }
0x3a: {  	_ = 	snop  }
0x3b: {  	_ = 	snop  }
0x3c: {  	p2 =	seq.s32 s10, $0x1;
	s10 =	sld [smem:$0x3FB8]  }
0x3d: {  	_ =	shalt  }
0x3e: {  	_ =	shalt  }
0x3f: {  	_ =	shalt  }
0x40: {  	_ =	shalt  }
0x41: {  	_ =	shalt  }
0x42: {  	_ =	shalt  }
0x43: {  	_ =	shalt  }
0x44: {  	_ =	shalt  }
0x45: {  	_ =	shalt  }
0x46: {  	_ =	shalt  }
0x47: {  	_ =	shalt  }
0x48: {  	_ =	shalt  }
0x49: {  	_ =	shalt  }
0x4a: {  	_ =	shalt  }
0x4b: {  	_ =	shalt  }
0x4c: {  	_ =	shalt  }
0x4d: {  	_ =	shalt  }
0x4e: {  	_ =	shalt  }
0x4f: {  	_ =	shalt  }
0x50: {  	_ =	shalt  }
0x51: {  	_ =	shalt  }
0x52: {  	_ =	shalt  }
0x53: {  	_ =	shalt  }
0x54: {  	_ =	shalt  }
0x55: {  	_ =	shalt  }
0x56: {  	_ =	shalt  }
0x57: {  	_ =	shalt  }
0x58: {  	_ =	shalt  }
0x59: {  	_ =	shalt  }
0x5a: {  	_ =	shalt  }
0x5b: {  	_ =	shalt  }
0x5c: {  	_ =	shalt  }
0x5d: {  	_ =	shalt  }
0x5e: {  	_ =	shalt  }
0x5f: {  	_ =	shalt  }
0x60: {  	_ =	shalt  }
0x61: {  	_ =	shalt  }
0x62: {  	_ =	shalt  }
0x63: {  	_ =	shalt  }
0x64: {  	_ =	shalt  }
0x65: {  	_ =	shalt  }
0x66: {  	_ =	shalt  }
0x67: {  	_ =	shalt  }
0x68: {  	_ =	shalt  }
0x69: {  	_ =	shalt  }
0x6a: {  	_ =	shalt  }
0x6b: {  	_ =	shalt  }
0x6c: {  	_ =	shalt  }
0x6d: {  	_ =	shalt  }
0x6e: {  	_ =	shalt  }
0x6f: {  	_ =	shalt  }
0x70: {  	_ =	shalt  }
0x71: {  	_ =	shalt  }
0x72: {  	_ =	shalt  }
0x73: {  	_ =	shalt  }
0x74: {  	_ =	shalt  }
0x75: {  	_ =	shalt  }
0x76: {  	_ =	shalt  }
0x77: {  	_ =	shalt  }
0x78: {  	_ =	shalt  }
0x79: {  	_ =	shalt  }
0x7a: {  	_ =	shalt  }
0x7b: {  	_ =	shalt  }
0x7c: {  	_ =	shalt  }
0x7d: {  	_ =	shalt  }
0x7e: {  	_ =	shalt  }
0x7f: {  	_ =	shalt  }
0x80: {  	_ =	shalt  }
0x81: {  	_ =	shalt  }
0x82: {  	_ =	shalt  }
0x83: {  	_ =	shalt  }
0x84: {  	_ =	shalt  }
0x85: {  	_ =	shalt  }
0x86: {  	_ =	shalt  }
0x87: {  	_ =	shalt  }
.Lfunc_end0:
.L_simem_size_0:
called_computation_lowered:
.L_overlay_start_0:
0x88: {  	s2 =	sld [smem:$0x3FD9]  }
0x89: {  	s3 =	sld [smem:$0x3FFE];
	_ =	sdelay $0x1  }
0x8a: {  	s1 =	srdreg.scid  }
0x8b: {  	s0 =	sand.u32 $0x1, s1  }
0x8c: {  	s15 =	sshll.u32 s0, $0xA;
	s2 =	sadd.s32 s3, s2  }
0x8d: {  	s2 =	sadd.s32 s2, s15  }
0x8e: {  	[smem:$0x3FC4] =	sst s2  }
0x8f: {  	_ = 	snop  }
0x90: {  	s2 =	sld [smem:$0x3FD0]  }
0x91: {  	s16 =	sld [smem:$0x3FC9]  }
0x92: {  	s4 =	sld [smem:$0x3FC8]  }
0x93: {  	s6 =	simm.s32 $0xA;
	s7 =	simm.s32 $0x10;
	s5 =	sld [smem:$0x3FC6]  }
0x94: {  	[smem:s7], [sflag:s6] =	dma.local [hbm:s2], $0x1  }
0x95: {  	_ =	swait.eq [sflag:s6], $0x1  }
0x96: {  	[sflag:s6] =	ssyncset.done $0x0  }
0x97: {  	[sflag:s6] =	ssyncadd.s32 $0xFFFFFFFF  }
0x98: {  	s17 =	sld [smem:$0x10];
	(tm) =	ssettm $0x1  }
0x99: {  	s18 =	sld [smem:$0x3FFB];
	_ =	sdelay $0x3  }
0x9a: {  	_ =	strace s18  }
0x9b: {  	s6 =	sld [smem:$0x3FFC];
	_ =	sdelay $0x3  }
0x9c: {  	_ =	strace s6  }
0x9d: {  	s6 =	sld [smem:$0x3FFD];
	_ =	sdelay $0x3  }
0x9e: {  	_ =	strace s6  }
0x9f: {  	_ =	strace $0x8FFFFFFF  }
0xa0: {  	s19 =	sld [smem:$0x3FDB];
	_ =	sdelay $0x1  }
0xa1: {  	s20 =	simm.s32 $_scs_section_size  }
0xa2: {  	s8 =	simm.s32 $_size__tile_overlayer_lowered;
	s9 =	simm.s32 $_tile_overlayer_lowered  }
0xa3: {  	s23 =	simm.s32 $0x1BFF;
	s22 =	sshll.u32 s9, $0x1;
	s6 =	sadd.s32 s20, s19  }
0xa4: {  	s10 =	simm.s32 $0x0;
	s21 =	sshll.u32 s8, $0x1;
	s8 =	sadd.s32 s22, s6  }
0xa5: {  	[timem:s10], [sflag:s23] =	dma.local [hbm:s8], s21  }
0xa6: {  	_ =	swait.ge [sflag:s23], s21  }
0xa7: {  	s7 =	ssub.s32 $0x0, s21;
	[sflag:s23] =	ssyncset.done $0x0  }
0xa8: {  	[sflag:s23] =	ssyncadd.s32 s7;
	_ =	sdelay $0x1  }
0xa9: {  	s24 =	simm.s32 $0x1B8B  }
0xaa: {  	_ =	swait.ge [sflag:s24], $0x1  }
0xab: {  	[sflag:s24] =	ssyncset.done $0x0  }
0xac: {  	s25 =	simm.s32 $0x1B8E;
	[sflag:s24] =	ssyncadd.s32 $0xFFFFFFFF  }
0xad: {  	s26 =	simm.s32 $execute0_lowered;
	[smem:$0x3FD2] =	sst s25  }
0xae: {  	s7 =	sshll.u32 s26, $0x1;
	_ =	strace $0x80000046;
	[dreg:$0x1] =	wrdreg $0xFFFFFFFF  }
0xaf: {  	s28 =	simm.s32 $_size_execute0_lowered;
	s6 =	sadd.s32 s6, s7;
	[dreg:$0x0] =	wrdreg $0x0  }
0xb0: {  	s7 =	sshll.u32 s28, $0x1;
	[dreg:$0x2] =	wrdreg s6  }
0xb1: {  	[dreg:$0x3] =	wrdreg s7  }
0xb2: {  	[dreg:$0x4] =	wrdreg $0xC0  }
0xb3: {  	_ =	task [dreg:s10], $0x5FFFF  }
0xb4: {  	[dreg:$0x1] =	wrdreg $0xFFFFFFFF  }
0xb5: {  	[dreg:$0x0] =	wrdreg $0x60  }
0xb6: {  	[dreg:$0x2] =	wrdreg s5  }
0xb7: {  	[dreg:$0x3] =	wrdreg s16  }
0xb8: {  	[dreg:$0x4] =	wrdreg s4  }
0xb9: {  	[dreg:$0x5] =	wrdreg s17  }
0xba: {  	[dreg:$0x6] =	wrdreg $0x180800  }
0xbb: {  	[dreg:$0x7] =	wrdreg $0x9  }
0xbc: {  	_ =	task.clear_ibuf [dreg:s10], $0x8FFFF;
	_ =	strace $0x90000046  }
0xbd: {  	s29 =	simm.s32 $0x9;
	_ =	strace $0x80000048  }
0xbe: {  	_ =	swait.ge [sflag:s29], $0x1  }
0xbf: {  	[sflag:s29] =	ssyncadd.s32 $0xFFFFFFFF  }
0xc0: {  	_ =	strace $0x90000048  }
0xc1: {  	_ =	sfence  }
0xc2: {  	s30 =	sld [smem:$0x0];
	_ =	sdelay $0x2  }
0xc3: {  	s31 =	sshll.u32 s1, $0xD;
	s1 =	sshrl.u32 s1, $0x2  }
0xc4: {  	s3 =	sand.u32 $0x4000, s31;
	s1 =	sadd.s32 s1, s30  }
0xc5: {  	s0 =	sor.u32 s3, s0;
	s1 =	sshll.u32 s1, $0x11  }
0xc6: {  	s0 =	sor.u32 s1, s0  }
0xc7: {  	s0 =	sadd.s32 $0x8F2B, s0  }
0xc8: {  	[sflag:s0] =	ssyncadd.remote.s32 $0x1  }
0xc9: {  	_ =	sfence.sel $0xFFFF  }
0xca: {  	[dreg:$0x0] =	wrdreg $0xFFFFFFFF;
	(pc) =	sbr.abs _section_cstart, $3  }
0xcb: {  	[dreg:$0x1] =	wrdreg $0xFFFFFFFF  }
0xcc: {  	_ =	task.clear_ibuf [dreg:s10], $0x2FFFF;
	_ =	strace $0x9FFFFFFF  }
0xcd: {  	(tm) =	ssettm $0x7FFFFFFF  }
tec
execute0_lowered:
.L_overlay_start_1:
0x0: {  	(tag) =	ssettag $0x1  }
0x1: {  	s1 =	rddreg [dreg:$0x0]  }
0x2: {  	s2 =	rddreg [dreg:$0x1]  }
0x3: {  	s6 =	rddreg [dreg:$0x2]  }
0x4: {  	s8 =	rddreg [dreg:$0x3]  }
0x5: {  	s9 =	rddreg [dreg:$0x4]  }
0x6: {  	s0 =	rddreg [dreg:$0x5]  }
0x7: {  	s4 =	simm.s32 $0x0;
	s5 =	srdreg.scid;
	s3 =	stileid.u32  }
0x8: {  	s14 =	simm.s32 $0x3;
	s15 =	simm.s32 $0x4;
	s16 =	simm.s32 $0x0  }
0x9: {  	[smem:$0x7FF] =	sst s4;
	s7 =	sand.u32 $0x1, s5;
	s11 =	sshll.u32 s3, $0x11  }
0xa: {  	s31 =	sshll.u32 s3, $0xE;
	s5 =	ssub.s32 $0x2, s7;
	s10 =	sshll.u32 s7, $0x15  }
.Ltmp0:
0xb: {  	_ =	strace $0x80000047;
	s7 =	sshll.u32 s7, $0xB;
	(pc) =	sbr.rel .LBB2_1-.Ltmp0, $4  }
0xc: {  	s12 =	sshrl.u32 s5, $0x1;
	s13 =	sor.u32 s11, s10;
	s10 =	sadd.s32 s10, s8  }
0xd: {  	s8 =	sadd.s32 s31, s9;
	s12 =	ssub.s32 s5, s12;
	s5 =	sshll.u32 s3, $0xA  }
0xe: {  	s6 =	sadd.s32 s6, s13;
	s10 =	sadd.s32 s11, s10;
	s11 =	simm.s32 $0x5  }
0xf: {  	s13 =	simm.s32 $0x2;
	s9 =	smax.u32 s12, $0x1;
	s12 =	simm.s32 $0x80  }
.LBB2_8:
0x10: {  	_ =	swait.ge [sflag:s13], $0x800  }
0x11: {  	[sflag:s13] =	ssyncset.done $0x0  }
0x12: {  	s16 =	sadd.s32 $0x1, s16;
	[sflag:s13] =	ssyncadd.s32 $0xFFFFF800  }
0x13: {  	p0 =	sne.s32 s16, s9;
	_ =	swait.ge [sflag:s14], $0x800  }
.Ltmp1:
0x14: {  	[sflag:s14] =	ssyncset.done $0x0;
	(pc) =	sbr.rel @!p0 .LBB2_9-.Ltmp1, $4  }
0x15: {  	[sflag:s14] =	ssyncadd.s32 $0xFFFFF800  }
0x16: {  	_ =	swait.ge [sflag:s15], $0x800  }
0x17: {  	[sflag:s15] =	ssyncset.done $0x0  }
0x18: {  	[sflag:s15] =	ssyncadd.s32 $0xFFFFF800  }
.LBB2_1:
0x19: {  	[tilespmem:s4], [sflag:$0x5] =	stream.linear.gather [hbm4b:s1+s4], $0x1, $0x38;
	[tilespmem:$0x1C080] =	vst v63  }
0x1a: {  	_ =	swait.ge [sflag:s11], $0x1  }
0x1b: {  	[sflag:s11] =	ssyncset.done $0x0  }
0x1c: {  	[sflag:s11] =	ssyncadd.s32 $0xFFFFFFFF  }
0x1d: {  	v0 =	vld [tilespmem:$0x0];
	_ =	sdelay $0x4  }
0x1e: {  	(v2sf) =	vpush v0, $0x0;
	_ =	sdelay $0xe  }
0x1f: {  	s17 =	spop (v2sf)  }
0x20: {  	s17 =	ssub.s32 s5, s17  }
0x21: {  	s17 =	sand.u32 $0x3FFF, s17  }
0x22: {  	p0 =	sgt.u32 s17, $0x7FF  }
0x23: {  	s17 =	sor.u32 @!p0 s7, s17  }
0x24: {  	s17 =	smin.u32 @!p0 s17, $0xFE0  }
0x25: {  	s17 =	sshll.u32 @!p0 s17, $0x7  }
.Ltmp2:
0x26: {  	s17 =	sand.u32 @!p0 $0x7FC00, s17;
	(pc) =	sbr.rel .LBB2_2-.Ltmp2, $4  }
0x27: {  	s17 =	sadd.s32 @!p0 s2, s17  }
0x28: {  	s17 =	smov.u32 @p0 s6  }
0x29: {  	[tilespmem:s12], [sflag:$0x1] =	stream.linear.gather [hbm4b:s17+s4], $0x8000, $0x38;
	[tilespmem:$0x1C080] =	vst v63  }
0x2a: {  	s18 =	simm.s32 $0x0;
	s17 =	smov.u32 s10  }
.LBB2_6:
0x2b: {  	p0 =	slt.u32 s18, $0x3  }
0x2c: {  	s20 =	sand.u32 $0x1, s18;
	s19 =	simm.s32 @!p0 $0x4  }
0x2d: {  	p1 =	seq.s32 s20, $0x1;
	_ =	swait.ge @!p0 [sflag:s19], $0x800  }
0x2e: {  	s20 =	sshll.u32 @p1 s3, $0x6;
	[sflag:s19] =	ssyncset.done @!p0 $0x0  }
0x2f: {  	[sflag:s19] =	ssyncadd.s32 @!p0 $0xFFFFF800;
	s19 =	sor.u32 @p1 $0x1C04, s20;
	s20 =	sshrl.u32 @p1 s8, $0x3  }
0x30: {  	[hbm:s17], [sflag:s19] =	dma.local @p1 [spmem:s20], $0x800  }
0x31: {  	s19 =	simm.s32 @!p1 $0x0;
	s20 =	simm.s32 @!p1 $0x10080  }
0x32: {  	[hbm4b:s17+s19] =	stream.linear.scatter @!p1 [tilespmem:s20], [sflag:$0x4], $0x4000, $0x38;
	[tilespmem:$0x1C080] =	vst v63  }
.LBB2_7:
0x33: {  	s18 =	sadd.s32 $0x1, s18  }
0x34: {  	p0 =	sne.s32 s18, $0x40  }
.Ltmp3:
0x35: {  	_ = 	snop;
	(pc) =	sbr.rel @!p0 .LBB2_8-.Ltmp3, $2  }
0x36: {  	_ =	sdelay $0x2  }
0x37: {  	s17 =	sadd.s32 $0x800, s17  }
.LBB2_2:
0x38: {  	s19 =	smul.u32 $0xAB, s18;
	_ =	sdelay $0x1  }
0x39: {  	s19 =	sshrl.u32 s19, $0x9  }
0x3a: {  	s19 =	sand.u32 $0x7F, s19  }
0x3b: {  	s19 =	smul.u32 $0x3, s19;
	_ =	sdelay $0x1  }
0x3c: {  	s19 =	ssub.s32 s18, s19  }
0x3d: {  	s19 =	sand.u32 $0xFF, s19  }
0x3e: {  	p0 =	seq.s32 s19, $0x2  }
.Ltmp4:
0x3f: {  	_ = 	snop;
	(pc) =	sbr.rel @p0 .LBB2_6-.Ltmp4, $1  }
0x40: {  	_ =	sdelay $0x3  }
0x41: {  	p0 =	seq.s32 s19, $0x1  }
.Ltmp5:
0x42: {  	_ = 	snop;
	(pc) =	sbr.rel @!p0 .LBB2_4-.Ltmp5, $1  }
0x43: {  	_ =	sdelay $0x3  }
0x44: {  	p0 =	slt.u32 s18, $0x3  }
0x45: {  	s20 =	sand.u32 $0x1, s18;
	s19 =	simm.s32 @!p0 $0x3  }
0x46: {  	p1 =	seq.s32 s20, $0x1;
	_ =	swait.ge @!p0 [sflag:s19], $0x800  }
.Ltmp6:
0x47: {  	s20 =	sshll.u32 @p1 s3, $0x6;
	[sflag:s19] =	ssyncset.done @!p0 $0x0;
	(pc) =	sbr.rel .LBB2_7-.Ltmp6, $4  }
0x48: {  	[sflag:s19] =	ssyncadd.s32 @!p0 $0xFFFFF800;
	s19 =	sor.u32 @p1 $0x1C03, s20;
	s20 =	sshrl.u32 @p1 s8, $0x3  }
0x49: {  	[hbm:s17], [sflag:s19] =	dma.local @p1 [spmem:s20], $0x800  }
0x4a: {  	s19 =	simm.s32 @!p1 $0x0;
	s20 =	simm.s32 @!p1 $0x8080  }
0x4b: {  	[hbm4b:s17+s19] =	stream.linear.scatter @!p1 [tilespmem:s20], [sflag:$0x3], $0x4000, $0x38;
	[tilespmem:$0x1C080] =	vst v63  }
.LBB2_4:
0x4c: {  	p0 =	slt.u32 s18, $0x3  }
0x4d: {  	s20 =	sand.u32 $0x1, s18;
	s19 =	simm.s32 @!p0 $0x2  }
0x4e: {  	p1 =	seq.s32 s20, $0x1;
	_ =	swait.ge @!p0 [sflag:s19], $0x800  }
.Ltmp7:
0x4f: {  	s20 =	sshll.u32 @p1 s3, $0x6;
	[sflag:s19] =	ssyncset.done @!p0 $0x0;
	(pc) =	sbr.rel .LBB2_7-.Ltmp7, $4  }
0x50: {  	[sflag:s19] =	ssyncadd.s32 @!p0 $0xFFFFF800;
	s19 =	sor.u32 @p1 $0x1C02, s20;
	s20 =	sshrl.u32 @p1 s8, $0x3  }
0x51: {  	[hbm:s17], [sflag:s19] =	dma.local @p1 [spmem:s20], $0x800  }
0x52: {  	s19 =	simm.s32 @!p1 $0x0;
	s20 =	simm.s32 @!p1 $0x80  }
0x53: {  	[hbm4b:s17+s19] =	stream.linear.scatter @!p1 [tilespmem:s20], [sflag:$0x2], $0x4000, $0x38;
	[tilespmem:$0x1C080] =	vst v63  }
.LBB2_9:
0x54: {  	_ =	sfence.sel $0x180000  }
0x55: {  	[bflag:$0x0] =	sbarrier.arrive $0xFFFF  }
0x56: {  	p0 =	sne.s32 s3, $0x0;
	_ =	strace $0x90000047  }
0x57: {  	s0 =	sadd.s32 @!p0 $0x100000, s0;
	[bflag:$0x2] =	sbarrier.arrive $0xFFFF  }
0x58: {  	[sflag:s0] =	ssyncadd.tile.s32 @!p0 $0x1;
	_ =	shalt  }
.Lfunc_end2:
_tile_overlayer_lowered:
.L_overlay_start_2:
0x59: {  	(tag) =	ssettag $0x2  }
0x5a: {  	s0 =	rddreg [dreg:$0x0];
	s2 =	stileid.u32  }
0x5b: {  	s1 =	rddreg [dreg:$0x1];
	p0 =	sne.s32 s2, $0x0  }
0x5c: {  	s3 =	rddreg [dreg:$0x2];
	[bflag:$0x3] =	sbarrier.arrive $0xFFFF;
	s2 =	simm.s32 @!p0 $0x1C05  }
0x5d: {  	[timem:s3], [sflag:s2] =	dma.local @!p0 [hbm:s0], s1  }
0x5e: {  	s0 =	simm.s32 @!p0 $0x5  }
0x5f: {  	_ =	swait.ge @!p0 [sflag:s0], s1  }
0x60: {  	s1 =	ssub.s32 @!p0 $0x0, s1;
	[sflag:s0] =	ssyncset.done @!p0 $0x0  }
0x61: {  	[sflag:s0] =	ssyncadd.s32 @!p0 s1  }
0x62: {  	[bflag:$0x3] =	sbarrier.arrive $0xFFFF  }
0x63: {  	_ =	shalt  }

</sc_bundles>
